<compile_context>
chip_gen: v7x
topology: tpu7x:2x2x1
jax: 0.10.2.dev20260603
libtpu: 0.0.44.dev20260713+nightly
codegen_flags: <defaults>
</compile_context>

<pallas_src>
import jax
import jax.numpy as jnp
from jax import lax
from jax.experimental import pallas as pl
from jax.experimental.pallas import tpu as pltpu
from jax.experimental.pallas import tpu_sc as plsc

B = 16
SEG = 2
L = 512
M = 510
OUT = M + 3
LANES = 16
NCHUNK = 33
OUT_PAD = NCHUNK * LANES
CLS_ID = 2
SEP_ID = 3
NC = 1
NS = 16


def _sc_body(tok_h, len_h, tokid_h, typ_h,
             tok_v, len_v, tid_v, typ_v, sem0, sem1, sem2):
  b = lax.axis_index("s") * NC + lax.axis_index("c")
  iota = lax.iota(jnp.int32, LANES)
  bvec = jnp.broadcast_to(b, (LANES,)).astype(jnp.int32)

  cp_tok0 = pltpu.async_copy(tok_h.at[b, 0], tok_v.at[pl.ds(0, L)], sem0)
  cp_tok1 = pltpu.async_copy(tok_h.at[b, 1], tok_v.at[pl.ds(L, L)], sem2)
  cp_len = pltpu.async_copy(len_h, len_v, sem1)
  cp_len.wait()
  l1 = plsc.load_gather(len_v, [bvec * 2])
  l2 = plsc.load_gather(len_v, [bvec * 2 + 1])
  k1 = jnp.minimum(l1, jnp.maximum((M + 1) // 2, M - l2))
  k2 = jnp.minimum(l2, jnp.maximum(M // 2, M - l1))
  cp_tok0.wait()
  cp_tok1.wait()

  def chunk(c, carry):
    pos = iota + c * LANES
    idx1 = jnp.clip(pos - 1, 0, L - 1)
    idx2 = jnp.clip(pos - k1 - 2, 0, L - 1)
    t1 = plsc.load_gather(tok_v, [idx1])
    t2 = plsc.load_gather(tok_v, [idx2 + L])
    val = jnp.where(
        pos <= k1,
        jnp.where(pos == 0, CLS_ID, t1),
        jnp.where(
            pos == k1 + 1, SEP_ID,
            jnp.where(pos <= k1 + k2 + 1, t2,
                      jnp.where(pos == k1 + k2 + 2, SEP_ID, 0))))
    typ = jnp.where((pos > k1 + 1) & (pos <= k1 + k2 + 2), 1, 0)
    sl = pl.ds(c * LANES, LANES)
    tid_v[sl] = val.astype(jnp.int32)
    typ_v[sl] = typ.astype(jnp.int32)
    return carry

  lax.fori_loop(0, NCHUNK, chunk, 0, unroll=False)
  cp_o0 = pltpu.async_copy(tid_v, tokid_h.at[b], sem0)
  cp_o1 = pltpu.async_copy(typ_v, typ_h.at[b], sem1)
  cp_o0.wait()
  cp_o1.wait()


def _tc_mask_body(len_ref, st_ref, en_ref, sto_ref, eno_ref):
  l1 = len_ref[...][:, 0:1]
  col = lax.broadcasted_iota(jnp.int32, (B, L), 1)
  m = col < l1
  sto_ref[...] = jnp.where(m, st_ref[...], 0.0)
  eno_ref[...] = jnp.where(m, en_ref[...], 0.0)


@jax.jit
def kernel(tokens, lengths, starts, ends):
  mesh = plsc.VectorSubcoreMesh(
      core_axis_name="c", subcore_axis_name="s",
      num_cores=NC, num_subcores=NS)
  run_sc = pl.kernel(
      _sc_body,
      out_type=(
          jax.ShapeDtypeStruct((B, OUT_PAD), jnp.int32),
          jax.ShapeDtypeStruct((B, OUT_PAD), jnp.int32),
      ),
      mesh=mesh,
      compiler_params=pltpu.CompilerParams(needs_layout_passes=False),
      scratch_types=[
          pltpu.VMEM((SEG * L,), jnp.int32),
          pltpu.VMEM((B * SEG,), jnp.int32),
          pltpu.VMEM((OUT_PAD,), jnp.int32),
          pltpu.VMEM((OUT_PAD,), jnp.int32),
          pltpu.SemaphoreType.DMA,
          pltpu.SemaphoreType.DMA,
          pltpu.SemaphoreType.DMA,
      ],
  )
  tokid, typ = run_sc(tokens, lengths.reshape(B * SEG))
  sto, eno = pl.pallas_call(
      _tc_mask_body,
      out_shape=(
          jax.ShapeDtypeStruct((B, L), jnp.float32),
          jax.ShapeDtypeStruct((B, L), jnp.float32),
      ),
  )(lengths, starts, ends)
  return tokid[:, :OUT], typ[:, :OUT], sto, eno

# --- scband reference (transcript-rebuilt; emitter-appended) ---
"""Pipeline reference for scband-bert-preprocessing-layer-21895743275157 (READ-ONLY COPY).

The authoritative reference and input builder live on the scoring server;
editing this copy changes nothing except your own understanding.
"""

import jax, jax.numpy as jnp
import numpy as np

B = 16
SEG = 2
L = 512
M = 510
CLS_ID = 2
SEP_ID = 3
VOCAB = 30522


def setup_inputs(seed: int = 0) -> dict:
    key = jax.random.key(seed)
    k1, k2, k3, k4 = jax.random.split(key, 4)
    tokens = jax.random.randint(k1, (B, SEG, L), 0, VOCAB, dtype=jnp.int32)
    lengths = jax.random.randint(k2, (B, SEG), 1, L, dtype=jnp.int32)
    starts = jnp.sort(jax.random.uniform(k3, (B, L), dtype=jnp.float32) * 2048.0, axis=-1)
    ends = starts + jax.random.uniform(k4, (B, L), dtype=jnp.float32) * 8.0
    return {"tokens": tokens, "lengths": lengths, "starts": starts, "ends": ends}


def reference(tokens, lengths, starts, ends):
    # Ragged segments are given as padded [B, 2, L] token ids + per-segment lengths.
    # 1) RoundRobinTrimmer(max_length=M) over the two segments (closed-form for 2 segments).
    l1 = lengths[:, 0:1].astype(jnp.int32)  # [B,1]
    l2 = lengths[:, 1:2].astype(jnp.int32)
    keep1 = jnp.minimum(l1, jnp.maximum((M + 1) // 2, M - l2))
    keep2 = jnp.minimum(l2, jnp.maximum(M // 2, M - l1))
    # 2) combine_segments: [CLS] seg1 [SEP] seg2 [SEP], padded to static M+3 (to_tensor).
    out_len = M + 3
    pos = jnp.arange(out_len, dtype=jnp.int32)[None, :]  # [1, out_len]
    idx1 = jnp.clip(jnp.broadcast_to(pos, (B, out_len)) - 1, 0, L - 1)
    idx2 = jnp.clip(pos - keep1 - 2, 0, L - 1)
    t1 = jnp.take_along_axis(tokens[:, 0, :], idx1, axis=1)
    t2 = jnp.take_along_axis(tokens[:, 1, :], idx2, axis=1)
    token_ids = jnp.zeros((B, out_len), dtype=jnp.int32)
    token_ids = jnp.where(pos == 0, CLS_ID, token_ids)
    token_ids = jnp.where((pos >= 1) & (pos <= keep1), t1, token_ids)
    token_ids = jnp.where(pos == keep1 + 1, SEP_ID, token_ids)
    token_ids = jnp.where((pos >= keep1 + 2) & (pos <= keep1 + keep2 + 1), t2, token_ids)
    token_ids = jnp.where(pos == keep1 + keep2 + 2, SEP_ID, token_ids)
    # tf.where(type_ids == 0, 0, 1)
    type_ids = jnp.where((pos >= keep1 + 2) & (pos <= keep1 + keep2 + 2), 1, 0).astype(jnp.int32)
    # 3) offsets of segment 0 (ragged_tensors[1], [2]) padded to dense via length mask.
    col = jnp.arange(L, dtype=jnp.int32)[None, :]
    m1 = (col < l1).astype(starts.dtype)
    starts_out = starts * m1
    ends_out = ends * m1
    return (token_ids, type_ids, starts_out, ends_out)

if __name__ == "__main__":
    import jax
    _d = setup_inputs()
    print(jax.jit(kernel)(*tuple(_d.values())))

</pallas_src>

<mosaic_0001>
#map = affine_map<(d0, d1) -> (0, 0, 0)>
#map1 = affine_map<(d0, d1) -> (0)>
#map2 = affine_map<(d0, d1) -> (0, 0)>
module attributes {stable_mosaic.version = 14 : i64} {
  func.func @_sc_body(%arg0: i32, %arg1: i32, %arg2: memref<16x2x512xi32, #tpu.memory_space<hbm>>, %arg3: memref<32xi32, #tpu.memory_space<hbm>>, %arg4: memref<16x528xi32, #tpu.memory_space<hbm>>, %arg5: memref<16x528xi32, #tpu.memory_space<hbm>>, %arg6: memref<1024xi32, #tpu.memory_space<vmem>>, %arg7: memref<32xi32, #tpu.memory_space<vmem>>, %arg8: memref<528xi32, #tpu.memory_space<vmem>>, %arg9: memref<528xi32, #tpu.memory_space<vmem>>, %arg10: memref<!tpu.dma_semaphore, #tpu.memory_space<semaphore_mem>>, %arg11: memref<!tpu.dma_semaphore, #tpu.memory_space<semaphore_mem>>, %arg12: memref<!tpu.dma_semaphore, #tpu.memory_space<semaphore_mem>>) attributes {dimension_semantics = [#tpu.dimension_semantics<core_parallel>, #tpu.dimension_semantics<subcore_parallel>], iteration_bounds = array<i64: 1, 16>, scalar_prefetch = 0 : i64, scratch_operands = 7 : i64, tpu.core_type = #tpu.core_type<sc_vector_subcore>, window_params = [{transform_indices = #map}, {transform_indices = #map1}, {transform_indices = #map2}, {transform_indices = #map2}]} {
    %mul3A = arith.constant 1 : i32
    %mul3A_0 = arith.muli %arg1, %mul3A : i32
    %add3A = arith.addi %mul3A_0, %arg0 : i32
    %iota3A = tpu.iota {dimensions = array<i32: 0>} : vector<16xi32>
    %broadcast_in_dim3A = vector.broadcast %add3A : i32 to vector<16xi32>
    %dma_start3A = arith.constant 0 : i32
    %dma_start3A_1 = arith.constant 0 : i32
    %dma_start3A_2 = tpu.memref_slice %arg6[%dma_start3A_1] : memref<1024xi32, #tpu.memory_space<vmem>> -> memref<512xi32, #tpu.memory_space<vmem>>
    %dma_start3A_3 = arith.constant 0 : i32
    %dma_start3A_4 = tpu.memref_slice %arg2[%add3A, %dma_start3A, %dma_start3A_3] : memref<16x2x512xi32, #tpu.memory_space<hbm>> -> memref<1x1x512xi32, #tpu.memory_space<hbm>>
    %dma_start3A_5 = tpu.memref_squeeze %dma_start3A_4 : memref<1x1x512xi32, #tpu.memory_space<hbm>> -> memref<512xi32, #tpu.memory_space<hbm>>
    %dma_start3A_6 = arith.constant 0 : i32
    %dma_start3A_7 = tpu.memref_slice %arg6[%dma_start3A_6] : memref<1024xi32, #tpu.memory_space<vmem>> -> memref<512xi32, #tpu.memory_space<vmem>>
    %dma_start3A_8 = arith.constant 0 : i32
    %dma_start3A_9 = tpu.memref_slice %arg2[%add3A, %dma_start3A, %dma_start3A_8] : memref<16x2x512xi32, #tpu.memory_space<hbm>> -> memref<1x1x512xi32, #tpu.memory_space<hbm>>
    %dma_start3A_10 = tpu.memref_squeeze %dma_start3A_9 : memref<1x1x512xi32, #tpu.memory_space<hbm>> -> memref<512xi32, #tpu.memory_space<hbm>>
    tpu.enqueue_dma source(%dma_start3A_10 : memref<512xi32, #tpu.memory_space<hbm>>) target(%dma_start3A_7 : memref<512xi32, #tpu.memory_space<vmem>>) target_semaphore(%arg10 : memref<!tpu.dma_semaphore, #tpu.memory_space<semaphore_mem>>)
    %dma_start3A_11 = arith.constant 1 : i32
    %dma_start3A_12 = arith.constant 512 : i32
    %dma_start3A_13 = tpu.memref_slice %arg6[%dma_start3A_12] : memref<1024xi32, #tpu.memory_space<vmem>> -> memref<512xi32, #tpu.memory_space<vmem>>
    %dma_start3A_14 = arith.constant 0 : i32
    %dma_start3A_15 = tpu.memref_slice %arg2[%add3A, %dma_start3A_11, %dma_start3A_14] : memref<16x2x512xi32, #tpu.memory_space<hbm>> -> memref<1x1x512xi32, #tpu.memory_space<hbm>>
    %dma_start3A_16 = tpu.memref_squeeze %dma_start3A_15 : memref<1x1x512xi32, #tpu.memory_space<hbm>> -> memref<512xi32, #tpu.memory_space<hbm>>
    %dma_start3A_17 = arith.constant 512 : i32
    %dma_start3A_18 = tpu.memref_slice %arg6[%dma_start3A_17] : memref<1024xi32, #tpu.memory_space<vmem>> -> memref<512xi32, #tpu.memory_space<vmem>>
    %dma_start3A_19 = arith.constant 0 : i32
    %dma_start3A_20 = tpu.memref_slice %arg2[%add3A, %dma_start3A_11, %dma_start3A_19] : memref<16x2x512xi32, #tpu.memory_space<hbm>> -> memref<1x1x512xi32, #tpu.memory_space<hbm>>
    %dma_start3A_21 = tpu.memref_squeeze %dma_start3A_20 : memref<1x1x512xi32, #tpu.memory_space<hbm>> -> memref<512xi32, #tpu.memory_space<hbm>>
    tpu.enqueue_dma source(%dma_start3A_21 : memref<512xi32, #tpu.memory_space<hbm>>) target(%dma_start3A_18 : memref<512xi32, #tpu.memory_space<vmem>>) target_semaphore(%arg12 : memref<!tpu.dma_semaphore, #tpu.memory_space<semaphore_mem>>)
    tpu.enqueue_dma source(%arg3 : memref<32xi32, #tpu.memory_space<hbm>>) target(%arg7 : memref<32xi32, #tpu.memory_space<vmem>>) target_semaphore(%arg11 : memref<!tpu.dma_semaphore, #tpu.memory_space<semaphore_mem>>)
    tpu.wait_dma2 semaphore(%arg11 : memref<!tpu.dma_semaphore, #tpu.memory_space<semaphore_mem>>) src(%arg3 : memref<32xi32, #tpu.memory_space<hbm>>) dst(%arg7 : memref<32xi32, #tpu.memory_space<vmem>>)
    %mul3A_22 = arith.constant 2 : i32
    %mul3A_23 = vector.broadcast %mul3A_22 : i32 to vector<16xi32>
    %mul3A_24 = arith.muli %broadcast_in_dim3A, %mul3A_23 : vector<16xi32>
    %gather3A = tpu.vector_load_idx %arg7[%mul3A_24] : memref<32xi32, #tpu.memory_space<vmem>>[vector<16xi32>], vector<16xi32>,
    %mul3A_25 = arith.constant 2 : i32
    %mul3A_26 = vector.broadcast %mul3A_25 : i32 to vector<16xi32>
    %mul3A_27 = arith.muli %broadcast_in_dim3A, %mul3A_26 : vector<16xi32>
    %add3A_28 = arith.constant 1 : i32
    %add3A_29 = vector.broadcast %add3A_28 : i32 to vector<16xi32>
    %add3A_30 = arith.addi %mul3A_27, %add3A_29 : vector<16xi32>
    %gather3A_31 = tpu.vector_load_idx %arg7[%add3A_30] : memref<32xi32, #tpu.memory_space<vmem>>[vector<16xi32>], vector<16xi32>,
    %sub3A = arith.constant 510 : i32
    %sub3A_32 = vector.broadcast %sub3A : i32 to vector<16xi32>
    %sub3A_33 = arith.subi %sub3A_32, %gather3A_31 : vector<16xi32>
    %max3A = arith.constant 255 : i32
    %max3A_34 = vector.broadcast %max3A : i32 to vector<16xi32>
    %max3A_35 = arith.maxsi %max3A_34, %sub3A_33 : vector<16xi32>
    %min3A = arith.minsi %gather3A, %max3A_35 : vector<16xi32>
    %sub3A_36 = arith.constant 510 : i32
    %sub3A_37 = vector.broadcast %sub3A_36 : i32 to vector<16xi32>
    %sub3A_38 = arith.subi %sub3A_37, %gather3A : vector<16xi32>
    %max3A_39 = arith.constant 255 : i32
    %max3A_40 = vector.broadcast %max3A_39 : i32 to vector<16xi32>
    %max3A_41 = arith.maxsi %max3A_40, %sub3A_38 : vector<16xi32>
    %min3A_42 = arith.minsi %gather3A_31, %max3A_41 : vector<16xi32>
    %dma_wait3A = arith.constant 0 : i32
    %dma_wait3A_43 = arith.constant 0 : i32
    %dma_wait3A_44 = tpu.memref_slice %arg6[%dma_wait3A_43] : memref<1024xi32, #tpu.memory_space<vmem>> -> memref<512xi32, #tpu.memory_space<vmem>>
    %dma_wait3A_45 = arith.constant 0 : i32
    %dma_wait3A_46 = tpu.memref_slice %arg2[%add3A, %dma_wait3A, %dma_wait3A_45] : memref<16x2x512xi32, #tpu.memory_space<hbm>> -> memref<1x1x512xi32, #tpu.memory_space<hbm>>
    %dma_wait3A_47 = tpu.memref_squeeze %dma_wait3A_46 : memref<1x1x512xi32, #tpu.memory_space<hbm>> -> memref<512xi32, #tpu.memory_space<hbm>>
    %dma_wait3A_48 = arith.constant 0 : i32
    %dma_wait3A_49 = tpu.memref_slice %arg6[%dma_wait3A_48] : memref<1024xi32, #tpu.memory_space<vmem>> -> memref<512xi32, #tpu.memory_space<vmem>>
    %dma_wait3A_50 = arith.constant 0 : i32
    %dma_wait3A_51 = tpu.memref_slice %arg2[%add3A, %dma_wait3A, %dma_wait3A_50] : memref<16x2x512xi32, #tpu.memory_space<hbm>> -> memref<1x1x512xi32, #tpu.memory_space<hbm>>
    %dma_wait3A_52 = tpu.memref_squeeze %dma_wait3A_51 : memref<1x1x512xi32, #tpu.memory_space<hbm>> -> memref<512xi32, #tpu.memory_space<hbm>>
    tpu.wait_dma2 semaphore(%arg10 : memref<!tpu.dma_semaphore, #tpu.memory_space<semaphore_mem>>) src(%dma_wait3A_52 : memref<512xi32, #tpu.memory_space<hbm>>) dst(%dma_wait3A_49 : memref<512xi32, #tpu.memory_space<vmem>>)
    %dma_wait3A_53 = arith.constant 1 : i32
    %dma_wait3A_54 = arith.constant 512 : i32
    %dma_wait3A_55 = tpu.memref_slice %arg6[%dma_wait3A_54] : memref<1024xi32, #tpu.memory_space<vmem>> -> memref<512xi32, #tpu.memory_space<vmem>>
    %dma_wait3A_56 = arith.constant 0 : i32
    %dma_wait3A_57 = tpu.memref_slice %arg2[%add3A, %dma_wait3A_53, %dma_wait3A_56] : memref<16x2x512xi32, #tpu.memory_space<hbm>> -> memref<1x1x512xi32, #tpu.memory_space<hbm>>
    %dma_wait3A_58 = tpu.memref_squeeze %dma_wait3A_57 : memref<1x1x512xi32, #tpu.memory_space<hbm>> -> memref<512xi32, #tpu.memory_space<hbm>>
    %dma_wait3A_59 = arith.constant 512 : i32
    %dma_wait3A_60 = tpu.memref_slice %arg6[%dma_wait3A_59] : memref<1024xi32, #tpu.memory_space<vmem>> -> memref<512xi32, #tpu.memory_space<vmem>>
    %dma_wait3A_61 = arith.constant 0 : i32
    %dma_wait3A_62 = tpu.memref_slice %arg2[%add3A, %dma_wait3A_53, %dma_wait3A_61] : memref<16x2x512xi32, #tpu.memory_space<hbm>> -> memref<1x1x512xi32, #tpu.memory_space<hbm>>
    %dma_wait3A_63 = tpu.memref_squeeze %dma_wait3A_62 : memref<1x1x512xi32, #tpu.memory_space<hbm>> -> memref<512xi32, #tpu.memory_space<hbm>>
    tpu.wait_dma2 semaphore(%arg12 : memref<!tpu.dma_semaphore, #tpu.memory_space<semaphore_mem>>) src(%dma_wait3A_63 : memref<512xi32, #tpu.memory_space<hbm>>) dst(%dma_wait3A_60 : memref<512xi32, #tpu.memory_space<vmem>>)
    %scan3A = arith.constant 0 : i32
    %scan3A_64 = arith.constant 0 : i32
    %scan3A_65 = arith.constant 33 : i32
    %scan3A_66 = arith.addi %scan3A_64, %scan3A_65 : i32
    %scan3A_67 = arith.constant 1 : i32
    scf.for %scan3A_93 = %scan3A_64 to %scan3A_66 step %scan3A_67  : i32 {
      %mul3A_94 = arith.constant 16 : i32
      %mul3A_95 = arith.muli %scan3A_93, %mul3A_94 : i32
      %add3A_96 = vector.broadcast %mul3A_95 : i32 to vector<16xi32>
      %add3A_97 = arith.addi %iota3A, %add3A_96 : vector<16xi32>
      %sub3A_98 = arith.constant 1 : i32
      %sub3A_99 = vector.broadcast %sub3A_98 : i32 to vector<16xi32>
      %sub3A_100 = arith.subi %add3A_97, %sub3A_99 : vector<16xi32>
      %jit3A = arith.constant 0 : i32
      %jit3A_101 = arith.constant 511 : i32
      %max3A_102 = vector.broadcast %jit3A : i32 to vector<16xi32>
      %max3A_103 = arith.maxsi %max3A_102, %sub3A_100 : vector<16xi32>
      %min3A_104 = vector.broadcast %jit3A_101 : i32 to vector<16xi32>
      %min3A_105 = arith.minsi %min3A_104, %max3A_103 : vector<16xi32>
      %sub3A_106 = arith.subi %add3A_97, %min3A : vector<16xi32>
      %sub3A_107 = arith.constant 2 : i32
      %sub3A_108 = vector.broadcast %sub3A_107 : i32 to vector<16xi32>
      %sub3A_109 = arith.subi %sub3A_106, %sub3A_108 : vector<16xi32>
      %jit3A_110 = arith.constant 0 : i32
      %jit3A_111 = arith.constant 511 : i32
      %max3A_112 = vector.broadcast %jit3A_110 : i32 to vector<16xi32>
      %max3A_113 = arith.maxsi %max3A_112, %sub3A_109 : vector<16xi32>
      %min3A_114 = vector.broadcast %jit3A_111 : i32 to vector<16xi32>
      %min3A_115 = arith.minsi %min3A_114, %max3A_113 : vector<16xi32>
      %gather3A_116 = tpu.vector_load_idx %arg6[%min3A_105] : memref<1024xi32, #tpu.memory_space<vmem>>[vector<16xi32>], vector<16xi32>,
      %add3A_117 = arith.constant 512 : i32
      %add3A_118 = vector.broadcast %add3A_117 : i32 to vector<16xi32>
      %add3A_119 = arith.addi %min3A_115, %add3A_118 : vector<16xi32>
      %gather3A_120 = tpu.vector_load_idx %arg6[%add3A_119] : memref<1024xi32, #tpu.memory_space<vmem>>[vector<16xi32>], vector<16xi32>,
      %le3A = arith.cmpi sle, %add3A_97, %min3A : vector<16xi32>
      %eq3A = arith.constant 0 : i32
      %eq3A_121 = vector.broadcast %eq3A : i32 to vector<16xi32>
      %eq3A_122 = arith.cmpi eq, %add3A_97, %eq3A_121 : vector<16xi32>
      %jit3A_123 = arith.constant 2 : i32
      %broadcast_in_dim3A_124 = vector.broadcast %jit3A_123 : i32 to vector<16xi32>
      %select_n3A = arith.select %eq3A_122, %broadcast_in_dim3A_124, %gather3A_116 : vector<16xi1>, vector<16xi32>
      %add3A_125 = arith.constant 1 : i32
      %add3A_126 = vector.broadcast %add3A_125 : i32 to vector<16xi32>
      %add3A_127 = arith.addi %min3A, %add3A_126 : vector<16xi32>
      %eq3A_128 = arith.cmpi eq, %add3A_97, %add3A_127 : vector<16xi32>
      %add3A_129 = arith.addi %min3A, %min3A_42 : vector<16xi32>
      %add3A_130 = arith.constant 1 : i32
      %add3A_131 = vector.broadcast %add3A_130 : i32 to vector<16xi32>
      %add3A_132 = arith.addi %add3A_129, %add3A_131 : vector<16xi32>
      %le3A_133 = arith.cmpi sle, %add3A_97, %add3A_132 : vector<16xi32>
      %add3A_134 = arith.addi %min3A, %min3A_42 : vector<16xi32>
      %add3A_135 = arith.constant 2 : i32
      %add3A_136 = vector.broadcast %add3A_135 : i32 to vector<16xi32>
      %add3A_137 = arith.addi %add3A_134, %add3A_136 : vector<16xi32>
      %eq3A_138 = arith.cmpi eq, %add3A_97, %add3A_137 : vector<16xi32>
      %jit3A_139 = arith.constant 3 : i32
      %jit3A_140 = arith.constant 0 : i32
      %broadcast_in_dim3A_141 = vector.broadcast %jit3A_139 : i32 to vector<16xi32>
      %broadcast_in_dim3A_142 = vector.broadcast %jit3A_140 : i32 to vector<16xi32>
      %select_n3A_143 = arith.select %eq3A_138, %broadcast_in_dim3A_141, %broadcast_in_dim3A_142 : vector<16xi1>, vector<16xi32>
      %select_n3A_144 = arith.select %le3A_133, %gather3A_120, %select_n3A_143 : vector<16xi1>, vector<16xi32>
      %jit3A_145 = arith.constant 3 : i32
      %broadcast_in_dim3A_146 = vector.broadcast %jit3A_145 : i32 to vector<16xi32>
      %select_n3A_147 = arith.select %eq3A_128, %broadcast_in_dim3A_146, %select_n3A_144 : vector<16xi1>, vector<16xi32>
      %select_n3A_148 = arith.select %le3A, %select_n3A, %select_n3A_147 : vector<16xi1>, vector<16xi32>
      %add3A_149 = arith.constant 1 : i32
      %add3A_150 = vector.broadcast %add3A_149 : i32 to vector<16xi32>
      %add3A_151 = arith.addi %min3A, %add3A_150 : vector<16xi32>
      %gt3A = arith.cmpi sgt, %add3A_97, %add3A_151 : vector<16xi32>
      %add3A_152 = arith.addi %min3A, %min3A_42 : vector<16xi32>
      %add3A_153 = arith.constant 2 : i32
      %add3A_154 = vector.broadcast %add3A_153 : i32 to vector<16xi32>
      %add3A_155 = arith.addi %add3A_152, %add3A_154 : vector<16xi32>
      %le3A_156 = arith.cmpi sle, %add3A_97, %add3A_155 : vector<16xi32>
      %and3A = arith.andi %gt3A, %le3A_156 : vector<16xi1>
      %jit3A_157 = arith.constant 1 : i32
      %jit3A_158 = arith.constant 0 : i32
      %broadcast_in_dim3A_159 = vector.broadcast %jit3A_157 : i32 to vector<16xi32>
      %broadcast_in_dim3A_160 = vector.broadcast %jit3A_158 : i32 to vector<16xi32>
      %select_n3A_161 = arith.select %and3A, %broadcast_in_dim3A_159, %broadcast_in_dim3A_160 : vector<16xi1>, vector<16xi32>
      %mul3A_162 = arith.constant 16 : i32
      %mul3A_163 = arith.muli %scan3A_93, %mul3A_162 : i32
      %swap3A = arith.index_cast %mul3A_163 : i32 to index
      %swap3A_164 = tpu.vector_load %arg8[%swap3A] {strides = array<i32>} : memref<528xi32, #tpu.memory_space<vmem>>, vector<16xi32>,
      tpu.vector_store %arg8[%swap3A], %select_n3A_148 {strides = array<i32>} : memref<528xi32, #tpu.memory_space<vmem>>, vector<16xi32>,
      %swap3A_165 = arith.index_cast %mul3A_163 : i32 to index
      %swap3A_166 = tpu.vector_load %arg9[%swap3A_165] {strides = array<i32>} : memref<528xi32, #tpu.memory_space<vmem>>, vector<16xi32>,
      tpu.vector_store %arg9[%swap3A_165], %select_n3A_161 {strides = array<i32>} : memref<528xi32, #tpu.memory_space<vmem>>, vector<16xi32>,
    }
    %scan3A_68 = arith.constant 33 : i32
    %dma_start3A_69 = arith.constant 0 : i32
    %dma_start3A_70 = tpu.memref_slice %arg4[%add3A, %dma_start3A_69] : memref<16x528xi32, #tpu.memory_space<hbm>> -> memref<1x528xi32, #tpu.memory_space<hbm>>
    %dma_start3A_71 = tpu.memref_squeeze %dma_start3A_70 : memref<1x528xi32, #tpu.memory_space<hbm>> -> memref<528xi32, #tpu.memory_space<hbm>>
    %dma_start3A_72 = arith.constant 0 : i32
    %dma_start3A_73 = tpu.memref_slice %arg4[%add3A, %dma_start3A_72] : memref<16x528xi32, #tpu.memory_space<hbm>> -> memref<1x528xi32, #tpu.memory_space<hbm>>
    %dma_start3A_74 = tpu.memref_squeeze %dma_start3A_73 : memref<1x528xi32, #tpu.memory_space<hbm>> -> memref<528xi32, #tpu.memory_space<hbm>>
    tpu.enqueue_dma source(%arg8 : memref<528xi32, #tpu.memory_space<vmem>>) target(%dma_start3A_74 : memref<528xi32, #tpu.memory_space<hbm>>) target_semaphore(%arg10 : memref<!tpu.dma_semaphore, #tpu.memory_space<semaphore_mem>>)
    %dma_start3A_75 = arith.constant 0 : i32
    %dma_start3A_76 = tpu.memref_slice %arg5[%add3A, %dma_start3A_75] : memref<16x528xi32, #tpu.memory_space<hbm>> -> memref<1x528xi32, #tpu.memory_space<hbm>>
    %dma_start3A_77 = tpu.memref_squeeze %dma_start3A_76 : memref<1x528xi32, #tpu.memory_space<hbm>> -> memref<528xi32, #tpu.memory_space<hbm>>
    %dma_start3A_78 = arith.constant 0 : i32
    %dma_start3A_79 = tpu.memref_slice %arg5[%add3A, %dma_start3A_78] : memref<16x528xi32, #tpu.memory_space<hbm>> -> memref<1x528xi32, #tpu.memory_space<hbm>>
    %dma_start3A_80 = tpu.memref_squeeze %dma_start3A_79 : memref<1x528xi32, #tpu.memory_space<hbm>> -> memref<528xi32, #tpu.memory_space<hbm>>
    tpu.enqueue_dma source(%arg9 : memref<528xi32, #tpu.memory_space<vmem>>) target(%dma_start3A_80 : memref<528xi32, #tpu.memory_space<hbm>>) target_semaphore(%arg11 : memref<!tpu.dma_semaphore, #tpu.memory_space<semaphore_mem>>)
    %dma_wait3A_81 = arith.constant 0 : i32
    %dma_wait3A_82 = tpu.memref_slice %arg4[%add3A, %dma_wait3A_81] : memref<16x528xi32, #tpu.memory_space<hbm>> -> memref<1x528xi32, #tpu.memory_space<hbm>>
    %dma_wait3A_83 = tpu.memref_squeeze %dma_wait3A_82 : memref<1x528xi32, #tpu.memory_space<hbm>> -> memref<528xi32, #tpu.memory_space<hbm>>
    %dma_wait3A_84 = arith.constant 0 : i32
    %dma_wait3A_85 = tpu.memref_slice %arg4[%add3A, %dma_wait3A_84] : memref<16x528xi32, #tpu.memory_space<hbm>> -> memref<1x528xi32, #tpu.memory_space<hbm>>
    %dma_wait3A_86 = tpu.memref_squeeze %dma_wait3A_85 : memref<1x528xi32, #tpu.memory_space<hbm>> -> memref<528xi32, #tpu.memory_space<hbm>>
    tpu.wait_dma2 semaphore(%arg10 : memref<!tpu.dma_semaphore, #tpu.memory_space<semaphore_mem>>) src(%arg8 : memref<528xi32, #tpu.memory_space<vmem>>) dst(%dma_wait3A_86 : memref<528xi32, #tpu.memory_space<hbm>>)
    %dma_wait3A_87 = arith.constant 0 : i32
    %dma_wait3A_88 = tpu.memref_slice %arg5[%add3A, %dma_wait3A_87] : memref<16x528xi32, #tpu.memory_space<hbm>> -> memref<1x528xi32, #tpu.memory_space<hbm>>
    %dma_wait3A_89 = tpu.memref_squeeze %dma_wait3A_88 : memref<1x528xi32, #tpu.memory_space<hbm>> -> memref<528xi32, #tpu.memory_space<hbm>>
    %dma_wait3A_90 = arith.constant 0 : i32
    %dma_wait3A_91 = tpu.memref_slice %arg5[%add3A, %dma_wait3A_90] : memref<16x528xi32, #tpu.memory_space<hbm>> -> memref<1x528xi32, #tpu.memory_space<hbm>>
    %dma_wait3A_92 = tpu.memref_squeeze %dma_wait3A_91 : memref<1x528xi32, #tpu.memory_space<hbm>> -> memref<528xi32, #tpu.memory_space<hbm>>
    tpu.wait_dma2 semaphore(%arg11 : memref<!tpu.dma_semaphore, #tpu.memory_space<semaphore_mem>>) src(%arg9 : memref<528xi32, #tpu.memory_space<vmem>>) dst(%dma_wait3A_92 : memref<528xi32, #tpu.memory_space<hbm>>)
    return
  }
}

module attributes {stable_mosaic.version = 14 : i64} {
  func.func @_tc_mask_body(%arg0: memref<16x2xi32, #tpu.memory_space<vmem>>, %arg1: memref<16x512xf32, #tpu.memory_space<vmem>>, %arg2: memref<16x512xf32, #tpu.memory_space<vmem>>, %arg3: memref<16x512xf32, #tpu.memory_space<vmem>>, %arg4: memref<16x512xf32, #tpu.memory_space<vmem>>) attributes {dimension_semantics = [], scalar_prefetch = 0 : i64, scratch_operands = 0 : i64, tpu.core_type = #tpu.core_type<tc>} {
    %get3A = arith.constant 0 : index
    %get3A_0 = arith.constant 0 : index
    %get3A_1 = vector.load %arg0[%get3A, %get3A_0] : memref<16x2xi32, #tpu.memory_space<vmem>>, vector<16x2xi32>
    %slice3A = vector.extract_strided_slice %get3A_1 {offsets = [0, 0], sizes = [16, 1], strides = [1, 1]} : vector<16x2xi32> to vector<16x1xi32>
    %iota3A = tpu.iota {dimensions = array<i32: 1>} : vector<16x512xi32>
    %lt3A = vector.broadcast %slice3A : vector<16x1xi32> to vector<16x512xi32>
    %lt3A_2 = arith.cmpi slt, %iota3A, %lt3A : vector<16x512xi32>
    %get3A_3 = arith.constant 0 : index
    %get3A_4 = arith.constant 0 : index
    %get3A_5 = vector.load %arg1[%get3A_3, %get3A_4] : memref<16x512xf32, #tpu.memory_space<vmem>>, vector<16x512xf32>
    %jit3A = arith.constant 0.000000e+00 : f32
    %broadcast_in_dim3A = vector.broadcast %jit3A : f32 to vector<16x512xf32>
    %select_n3A = arith.select %lt3A_2, %get3A_5, %broadcast_in_dim3A : vector<16x512xi1>, vector<16x512xf32>
    %swap3A = arith.constant 0 : index
    %swap3A_6 = arith.constant 0 : index
    %swap3A_7 = vector.load %arg3[%swap3A, %swap3A_6] : memref<16x512xf32, #tpu.memory_space<vmem>>, vector<16x512xf32>
    tpu.vector_store %arg3[%swap3A, %swap3A_6], %select_n3A {strides = array<i32>} : memref<16x512xf32, #tpu.memory_space<vmem>>, vector<16x512xf32>,
    %get3A_8 = arith.constant 0 : index
    %get3A_9 = arith.constant 0 : index
    %get3A_10 = vector.load %arg2[%get3A_8, %get3A_9] : memref<16x512xf32, #tpu.memory_space<vmem>>, vector<16x512xf32>
    %jit3A_11 = arith.constant 0.000000e+00 : f32
    %broadcast_in_dim3A_12 = vector.broadcast %jit3A_11 : f32 to vector<16x512xf32>
    %select_n3A_13 = arith.select %lt3A_2, %get3A_10, %broadcast_in_dim3A_12 : vector<16x512xi1>, vector<16x512xf32>
    %swap3A_14 = arith.constant 0 : index
    %swap3A_15 = arith.constant 0 : index
    %swap3A_16 = vector.load %arg4[%swap3A_14, %swap3A_15] : memref<16x512xf32, #tpu.memory_space<vmem>>, vector<16x512xf32>
    tpu.vector_store %arg4[%swap3A_14, %swap3A_15], %select_n3A_13 {strides = array<i32>} : memref<16x512xf32, #tpu.memory_space<vmem>>, vector<16x512xf32>,
    return
  }
}

</mosaic_0001>

<sc_bundles>
// kernel: kernel.4.cloned.1.call-start
scs
__scs_entry_jumppad:
0x0: {  	(pc) =	sbr.rel $0x88, $3  }
0x1: {  	(tag) =	ssettag $0x0;
	lr =	simm.s32 $0x1  }
0x2: {  	[smem:$0x3F9D] =	sst lr;
	_ =	strace $0xD0000000  }
0x3: {  	_ = 	snop  }
0x4: {  	_ = 	snop  }
0x5: {  	_ = 	snop  }
0x6: {  	_ = 	snop  }
0x7: {  	_ = 	snop  }
__scs_overlays_trampoline_lowered:
0x8: {  	[smem:$0x3FAC] =	sst s0  }
0x9: {  	[smem:$0x3FAD] =	sst s1  }
0xa: {  	[smem:$0x3FAE] =	sst s2  }
0xb: {  	[smem:$0x3FAF] =	sst s3  }
0xc: {  	[smem:$0x3FB0] =	sst s4  }
0xd: {  	[smem:$0x3FB1] =	sst s5  }
0xe: {  	[smem:$0x3FB2] =	sst s6  }
0xf: {  	[smem:$0x3FB3] =	sst s7  }
0x10: {  	[smem:$0x3FB4] =	sst s8  }
0x11: {  	[smem:$0x3FB5] =	sst s9;
	s0 =	simm.s32 @!p0 $0x0  }
0x12: {  	s1 =	sld [smem:$0x3F9B];
	s0 =	simm.s32 @p0 $0x1  }
0x13: {  	[smem:$0x3FB6] =	sst s0;
	s0 =	simm.s32 @!p1 $0x0  }
0x14: {  	s2 =	sld [smem:$0x3F9A];
	s0 =	simm.s32 @p1 $0x1  }
0x15: {  	[smem:$0x3FB7] =	sst s0;
	s0 =	simm.s32 @!p2 $0x0  }
0x16: {  	s3 =	sld [smem:$0x3FDB];
	s0 =	simm.s32 @p2 $0x1  }
0x17: {  	s4 =	simm.s32 $0x1BF5;
	[smem:$0x3FB9] =	sst s0  }
0x18: {  	s0 =	sld [smem:$0x3F9C];
	_ =	swait.ge [sflag:s4], $0x0  }
0x19: {  	s7 =	sld [smem:$0x3F9D]  }
0x1a: {  	s8 =	sadd.s32 $0xFFFFE003, lr  }
0x1b: {  	s9 =	sadd.s32 $0xFFFFFEF7, lr;
	s5 =	simm.s32 $0xFFFFFFFF;
	p2 =	slt.u32 s8, $0xFFFFF086  }
0x1c: {  	p1 =	slt.u32 s9, $0xF7A;
	s5 =	simm.s32 @!p2 $0x0  }
0x1d: {  	s5 =	simm.s32 @p1 $0x1;
	p0 =	seq.s32 s7, s2  }
0x1e: {  	s7 =	smul.u32 @!p0 $0xF7A, s2;
	p2 =	seq.s32 @!p0 s5, $0x0  }
0x1f: {  	s9 =	smul.u32 $0xF7A, s1;
	s8 =	simm.s32 @!p0 $0x1BF5;
	p2 =	por !p2, p0  }
0x20: {  	[sflag:s8] =	ssyncset.s32 @!p0 $0xFFFFF086;
	s6 =	sadd.s32 @!p0 s3, s7;
	s7 =	simm.s32 @!p0 $0x108  }
0x21: {  	s3 =	sadd.s32 s3, s9;
	s6 =	sadd.s32 @!p0 $0x88, s6;
	s7 =	simm.s32 @p2 $0x1082  }
0x22: {  	[simem:s7], [sflag:s8] =	dma.local @!p0 [hbm:s6], $0xF7A  }
0x23: {  	s9 =	sor.u32 $0xD0000000, s2;
	s6 =	simm.s32 $0x108;
	_ =	swait.ge @!p0 [sflag:s8], $0x0  }
0x24: {  	s3 =	sadd.s32 $0x88, s3;
	s6 =	simm.s32 @!p1 $0x1082;
	[sflag:s4] =	ssyncset.s32 $0xFFFFF086  }
0x25: {  	[simem:s6], [sflag:s4] =	dma.local [hbm:s3], $0xF7A  }
0x26: {  	[smem:$0x3F9D] =	sst s1;
	(tag) =	ssettag s2;
	_ =	strace s9  }
0x27: {  	s1 =	sld [smem:$0x3FAD]  }
0x28: {  	s2 =	sld [smem:$0x3FAE]  }
0x29: {  	s4 =	sld [smem:$0x3FB0]  }
0x2a: {  	p0 =	seq.s32 s5, $0x0;
	s5 =	sld [smem:$0x3FB1]  }
0x2b: {  	s6 =	sld [smem:$0x3FB2]  }
0x2c: {  	s7 =	sld [smem:$0x3FB3]  }
0x2d: {  	s3 =	simm.s32 $0x108;
	s8 =	sld [smem:$0x3FB4]  }
0x2e: {  	s3 =	simm.s32 @!p0 $0x1082;
	s9 =	sld [smem:$0x3FB5]  }
0x2f: {  	lr =	sadd.s32 s0, s3;
	s0 =	sld [smem:$0x3FAC]  }
0x30: {  	s3 =	sld [smem:$0x3FAF]  }
0x31: {  	[smem:$0x3FB8] =	sst s10  }
0x32: {  	s10 =	sld [smem:$0x3FB6];
	_ =	sdelay $0x3  }
0x33: {  	p0 =	seq.s32 s10, $0x1;
	s10 =	sld [smem:$0x3FB8];
	_ =	sdelay $0x3  }
0x34: {  	[smem:$0x3FB8] =	sst s10  }
0x35: {  	s10 =	sld [smem:$0x3FB7];
	_ =	sdelay $0x3  }
0x36: {  	p1 =	seq.s32 s10, $0x1;
	s10 =	sld [smem:$0x3FB8];
	_ =	sdelay $0x3  }
0x37: {  	[smem:$0x3FB8] =	sst s10  }
0x38: {  	s10 =	sld [smem:$0x3FB9]  }
0x39: {  	_ = 	snop;
	(pc) =	sbr.ind lr, $3  }
0x3a: {  	_ = 	snop  }
0x3b: {  	_ = 	snop  }
0x3c: {  	p2 =	seq.s32 s10, $0x1;
	s10 =	sld [smem:$0x3FB8]  }
0x3d: {  	_ =	shalt  }
0x3e: {  	_ =	shalt  }
0x3f: {  	_ =	shalt  }
0x40: {  	_ =	shalt  }
0x41: {  	_ =	shalt  }
0x42: {  	_ =	shalt  }
0x43: {  	_ =	shalt  }
0x44: {  	_ =	shalt  }
0x45: {  	_ =	shalt  }
0x46: {  	_ =	shalt  }
0x47: {  	_ =	shalt  }
0x48: {  	_ =	shalt  }
0x49: {  	_ =	shalt  }
0x4a: {  	_ =	shalt  }
0x4b: {  	_ =	shalt  }
0x4c: {  	_ =	shalt  }
0x4d: {  	_ =	shalt  }
0x4e: {  	_ =	shalt  }
0x4f: {  	_ =	shalt  }
0x50: {  	_ =	shalt  }
0x51: {  	_ =	shalt  }
0x52: {  	_ =	shalt  }
0x53: {  	_ =	shalt  }
0x54: {  	_ =	shalt  }
0x55: {  	_ =	shalt  }
0x56: {  	_ =	shalt  }
0x57: {  	_ =	shalt  }
0x58: {  	_ =	shalt  }
0x59: {  	_ =	shalt  }
0x5a: {  	_ =	shalt  }
0x5b: {  	_ =	shalt  }
0x5c: {  	_ =	shalt  }
0x5d: {  	_ =	shalt  }
0x5e: {  	_ =	shalt  }
0x5f: {  	_ =	shalt  }
0x60: {  	_ =	shalt  }
0x61: {  	_ =	shalt  }
0x62: {  	_ =	shalt  }
0x63: {  	_ =	shalt  }
0x64: {  	_ =	shalt  }
0x65: {  	_ =	shalt  }
0x66: {  	_ =	shalt  }
0x67: {  	_ =	shalt  }
0x68: {  	_ =	shalt  }
0x69: {  	_ =	shalt  }
0x6a: {  	_ =	shalt  }
0x6b: {  	_ =	shalt  }
0x6c: {  	_ =	shalt  }
0x6d: {  	_ =	shalt  }
0x6e: {  	_ =	shalt  }
0x6f: {  	_ =	shalt  }
0x70: {  	_ =	shalt  }
0x71: {  	_ =	shalt  }
0x72: {  	_ =	shalt  }
0x73: {  	_ =	shalt  }
0x74: {  	_ =	shalt  }
0x75: {  	_ =	shalt  }
0x76: {  	_ =	shalt  }
0x77: {  	_ =	shalt  }
0x78: {  	_ =	shalt  }
0x79: {  	_ =	shalt  }
0x7a: {  	_ =	shalt  }
0x7b: {  	_ =	shalt  }
0x7c: {  	_ =	shalt  }
0x7d: {  	_ =	shalt  }
0x7e: {  	_ =	shalt  }
0x7f: {  	_ =	shalt  }
0x80: {  	_ =	shalt  }
0x81: {  	_ =	shalt  }
0x82: {  	_ =	shalt  }
0x83: {  	_ =	shalt  }
0x84: {  	_ =	shalt  }
0x85: {  	_ =	shalt  }
0x86: {  	_ =	shalt  }
0x87: {  	_ =	shalt  }
.Lfunc_end0:
.L_simem_size_0:
called_computation_lowered:
.L_overlay_start_0:
0x88: {  	s0 =	sld [smem:$0x3FD9]  }
0x89: {  	s1 =	sld [smem:$0x3FFE];
	_ =	sdelay $0x3  }
0x8a: {  	s0 =	sadd.s32 s1, s0  }
0x8b: {  	[smem:$0x3FC4] =	sst s0  }
0x8c: {  	_ = 	snop  }
0x8d: {  	s0 =	sld [smem:$0x3FD0];
	_ =	sdelay $0x2  }
0x8e: {  	s2 =	simm.s32 $0xA;
	s3 =	simm.s32 $0x10;
	s13 =	sld [smem:$0x3FC9]  }
0x8f: {  	[smem:s3], [sflag:s2] =	dma.local [hbm:s0], $0x1  }
0x90: {  	_ =	swait.eq [sflag:s2], $0x1  }
0x91: {  	[sflag:s2] =	ssyncset.done $0x0  }
0x92: {  	s14 =	sld [smem:$0x10];
	[sflag:s2] =	ssyncadd.s32 $0xFFFFFFFF  }
0x93: {  	s15 =	sld [smem:$0x11];
	(tm) =	ssettm $0x1  }
0x94: {  	s16 =	sld [smem:$0x3FFB];
	_ =	sdelay $0x3  }
0x95: {  	_ =	strace s16  }
0x96: {  	s3 =	sld [smem:$0x3FFC];
	_ =	sdelay $0x3  }
0x97: {  	_ =	strace s3  }
0x98: {  	s3 =	sld [smem:$0x3FFD];
	_ =	sdelay $0x3  }
0x99: {  	_ =	strace s3  }
0x9a: {  	_ =	strace $0x8FFFFFFF  }
0x9b: {  	s17 =	sld [smem:$0x3FDB];
	_ =	sdelay $0x1  }
0x9c: {  	s4 =	simm.s32 $_scs_section_size  }
0x9d: {  	s5 =	simm.s32 $_size__tile_overlayer_lowered;
	s6 =	simm.s32 $_tile_overlayer_lowered  }
0x9e: {  	s20 =	simm.s32 $0x1BFF;
	s19 =	sshll.u32 s6, $0x1;
	s3 =	sadd.s32 s4, s17  }
0x9f: {  	s7 =	simm.s32 $0x0;
	s18 =	sshll.u32 s5, $0x1;
	s5 =	sadd.s32 s19, s3  }
0xa0: {  	[timem:s7], [sflag:s20] =	dma.local [hbm:s5], s18  }
0xa1: {  	_ =	swait.ge [sflag:s20], s18  }
0xa2: {  	s4 =	ssub.s32 $0x0, s18;
	[sflag:s20] =	ssyncset.done $0x0  }
0xa3: {  	[sflag:s20] =	ssyncadd.s32 s4;
	_ =	sdelay $0x1  }
0xa4: {  	s21 =	simm.s32 $0x1B8B  }
0xa5: {  	_ =	swait.ge [sflag:s21], $0x1  }
0xa6: {  	[sflag:s21] =	ssyncset.done $0x0  }
0xa7: {  	s23 =	simm.s32 $0x1B8E;
	s22 =	sld [smem:$0x3FFE];
	[sflag:s21] =	ssyncadd.s32 $0xFFFFFFFF  }
0xa8: {  	s24 =	simm.s32 $execute0_lowered;
	[smem:$0x3FD2] =	sst s23  }
0xa9: {  	s5 =	sshll.u32 s24, $0x1;
	_ =	strace $0x80000046;
	[dreg:$0x1] =	wrdreg $0xFFFFFFFF  }
0xaa: {  	s25 =	simm.s32 $_size_execute0_lowered;
	s3 =	sadd.s32 s3, s5;
	[dreg:$0x0] =	wrdreg $0x0  }
0xab: {  	s5 =	sshll.u32 s25, $0x1;
	[dreg:$0x2] =	wrdreg s3  }
0xac: {  	[dreg:$0x3] =	wrdreg s5  }
0xad: {  	[dreg:$0x4] =	wrdreg $0xC0  }
0xae: {  	_ =	task [dreg:s7], $0x5FFFF  }
0xaf: {  	[dreg:$0x1] =	wrdreg $0xFFFFFFFF  }
0xb0: {  	[dreg:$0x0] =	wrdreg $0x60  }
0xb1: {  	[dreg:$0x2] =	wrdreg s13  }
0xb2: {  	[dreg:$0x3] =	wrdreg s22  }
0xb3: {  	[dreg:$0x4] =	wrdreg s14  }
0xb4: {  	[dreg:$0x5] =	wrdreg s15  }
0xb5: {  	[dreg:$0x6] =	wrdreg $0x9  }
0xb6: {  	_ =	task.clear_ibuf [dreg:s7], $0x7FFFF;
	_ =	strace $0x90000046  }
0xb7: {  	s26 =	simm.s32 $0x9;
	_ =	strace $0x80000048  }
0xb8: {  	_ =	swait.ge [sflag:s26], $0x1  }
0xb9: {  	[sflag:s26] =	ssyncadd.s32 $0xFFFFFFFF  }
0xba: {  	_ =	strace $0x90000048  }
0xbb: {  	_ =	sfence  }
0xbc: {  	s28 =	sld [smem:$0x0];
	_ =	sdelay $0x1  }
0xbd: {  	s29 =	srdreg.scid  }
0xbe: {  	s30 =	sshll.u32 s29, $0xD;
	s31 =	sshrl.u32 s29, $0x2  }
0xbf: {  	s1 =	sand.u32 $0x1, s29;
	s2 =	sand.u32 $0x4000, s30;
	s0 =	sadd.s32 s31, s28  }
0xc0: {  	s1 =	sor.u32 s2, s1;
	s0 =	sshll.u32 s0, $0x11  }
0xc1: {  	s0 =	sor.u32 s0, s1  }
0xc2: {  	s0 =	sadd.s32 $0x8F2B, s0  }
0xc3: {  	[sflag:s0] =	ssyncadd.remote.s32 $0x1  }
0xc4: {  	_ =	sfence.sel $0xFFFF  }
0xc5: {  	[dreg:$0x0] =	wrdreg $0xFFFFFFFF;
	(pc) =	sbr.abs _section_cstart, $3  }
0xc6: {  	[dreg:$0x1] =	wrdreg $0xFFFFFFFF  }
0xc7: {  	_ =	task.clear_ibuf [dreg:s7], $0x2FFFF;
	_ =	strace $0x9FFFFFFF  }
0xc8: {  	(tm) =	ssettm $0x7FFFFFFF  }
0xc9: {  	_ =	shalt  }
tec
execute0_lowered:
.L_overlay_start_1:
0x0: {  	(tag) =	ssettag $0x1  }
0x1: {  	s6 =	rddreg [dreg:$0x0]  }
0x2: {  	s7 =	rddreg [dreg:$0x1]  }
0x3: {  	s3 =	rddreg [dreg:$0x2]  }
0x4: {  	s2 =	rddreg [dreg:$0x3]  }
0x5: {  	s0 =	rddreg [dreg:$0x4];
	s5 =	simm.s32 $0x0;
	s1 =	stileid.u32  }
0x6: {  	s8 =	simm.s32 $0x80;
	[smem:$0x7FF] =	sst s5;
	s4 =	sshll.u32 s1, $0x7  }
0x7: {  	s9 =	simm.s32 $0x100;
	_ =	strace $0x80000047;
	s6 =	sadd.s32 s6, s4  }
0x8: {  	[tilespmem:s5], [sflag:$0x1] =	stream.strided.gather [hbm4b:s6+s8], $0x200, s9, s8, $0x38;
	[tilespmem:$0x980] =	vst v63  }
0x9: {  	s10 =	simm.s32 $0x200;
	s25 =	sshll.u32 s1, $0x1;
	s6 =	sadd.s32 $0x10, s6  }
0xa: {  	v0 =	vmov s25;
	[tilespmem:s10], [sflag:$0x3] =	stream.strided.gather [hbm4b:s6+s8], $0x200, s9, s8, $0x38;
	[tilespmem:$0x980] =	vst v63  }
0xb: {  	s26 =	simm.s32 $0x400;
	s28 =	simm.s32 $0x2;
	s7 =	sadd.s32 $0x1000, s7;
	v1 =	vor.u32 $0x1, v0  }
0xc: {  	[tilespmem:s26], [sflag:$0x2] =	stream.linear.gather [hbm4b:s7+s5], $0x80, $0x38;
	[tilespmem:$0x980] =	vst v63  }
0xd: {  	_ =	swait.ge [sflag:s28], $0x80  }
0xe: {  	[sflag:s28] =	ssyncset.done $0x0  }
0xf: {  	[sflag:s28] =	ssyncadd.s32 $0xFFFFFF80  }
0x10: {  	v2 =	vld.idx.msk [tilespmem:v1+s26+$0x0], $0xffff;
	_ =	sdelay $0x2  }
0x11: {  	v3 =	vld.idx.msk [tilespmem:v0+s26+$0x0], $0xffff;
	_ =	sdelay $0x1  }
0x12: {  	v0 =	vsub.s32 $0x1FE, v2  }
0x13: {  	vm0 =	vgt.s32 v0, $0xFF  }
0x14: {  	v1 =	vnsel vm0, $0xFF, v0  }
0x15: {  	v0 =	vlaneseq.u32;
	vm0 =	vlt.s32 v3, v1  }
0x16: {  	v8 =	vor.u32 s5, v0;
	v1 =	vsel vm0, v3, v1  }
0x17: {  	v4 =	vsub.s32 v8, v1  }
0x18: {  	v4 =	vadd.s32 $0xFFFFFFFE, v4  }
0x19: {  	v6 =	vadd.s32 $0xFFFFFFFF, v0;
	vm0 =	vgt.s32 v4, $0x0  }
0x1a: {  	s29 =	simm.s32 $0x1;
	v5 =	vadd.s32 s5, v6;
	v4 =	vnsel vm0, $0x0, v4  }
0x1b: {  	_ =	swait.ge [sflag:s29], $0x200;
	vm0 =	vgt.s32 v5, $0x0;
	v4 =	vmin.u32 v4, $0x1FF  }
0x1c: {  	s31 =	simm.s32 $0x10;
	[sflag:s29] =	ssyncset.done $0x0;
	v3 =	vsub.s32 $0x1FE, v3;
	v5 =	vnsel vm0, $0x0, v5;
	v9 =	vor.u32 $0x200, v4  }
0x1d: {  	s30 =	simm.s32 $0x3;
	[sflag:s29] =	ssyncadd.s32 $0xFFFFFE00;
	v7 =	vor.u32 s31, v0;
	vm1 =	vgt.s32 v3, $0xFF;
	v10 =	vmin.u32 v5, $0x1FF  }
0x1e: {  	v11 =	vmov s5;
	_ =	swait.ge [sflag:s30], $0x200;
	v13 =	vsub.s32 v7, v1;
	v3 =	vnsel vm1, $0xFF, v3  }
0x1f: {  	[sflag:s30] =	ssyncset.done $0x0;
	v12 =	vadd.s32 s31, v6;
	v13 =	vadd.s32 $0xFFFFFFFE, v13;
	vm1 =	vlt.s32 v2, v3  }
0x20: {  	[sflag:s30] =	ssyncadd.s32 $0xFFFFFE00;
	vm7 =	vgt.s32 v12, $0x0;
	vm3 =	vgt.s32 v13, $0x0;
	v2 =	vsel vm1, v2, v3  }
0x21: {  	vm1 =	veq.s32 v11, v0;
	v11 =	vnsel vm3, $0x0, v13;
	v2 =	vadd.s32 v2, v1;
	v9 =	vld.idx.msk [tilespmem:v9+s5+$0x0], $0xffff  }
0x22: {  	vm0 =	vgt.s32 v8, v1;
	v4 =	vadd.s32 $0x1, v1;
	v5 =	vadd.s32 $0x1, v2;
	v10 =	vld.idx.msk [tilespmem:v10+s5+$0x0], $0xffff  }
0x23: {  	v3 =	vadd.s32 $0x2, v2;
	v2 =	vimm.s32 $0x0;
	vm2 =	veq.s32 v8, v4  }
0x24: {  	vm4 =	vgt.s32 v8, v4;
	vm5 =	vle.s32 v8, v3;
	vm6 =	veq.s32 v8, v3  }
0x25: {  	vm3 =	vgt.s32 v8, v5;
	v8 =	vmin.u32 v11, $0x1FF;
	v11 =	vsel vm6, $0x3, v2  }
0x26: {  	v12 =	vnsel vm7, $0x0, v12;
	v13 =	vor.u32 $0x200, v8;
	v8 =	vsel vm3, v11, v9  }
0x27: {  	v14 =	vmin.u32 v12, $0x1FF;
	v9 =	vsel vm1, $0x2, v10;
	v8 =	vsel vm2, $0x3, v8  }
0x28: {  	s6 =	simm.s32 $0x480;
	v8 =	vsel vm0, v8, v9;
	vm0 =	vmand vm4, vm5  }
0x29: {  	s7 =	simm.s32 $0x700;
	v9 =	vsel vm0, $0x1, v2;
	[tilespmem:s6+$0x0] =	vst v8  }
0x2a: {  	s8 =	simm.s32 $0x20;
	[tilespmem:s7+$0x0] =	vst v9  }
0x2b: {  	v12 =	vmov s31;
	v8 =	vor.u32 s8, v0;
	v9 =	vld.idx.msk [tilespmem:v13+s5+$0x0], $0xffff  }
0x2c: {  	s9 =	simm.s32 $0x30;
	v11 =	vadd.s32 s8, v6;
	vm0 =	vgt.s32 v7, v1;
	v13 =	vsub.s32 v8, v1;
	v10 =	vld.idx.msk [tilespmem:v14+s5+$0x0], $0xffff  }
.LBB2_1:
0x2d: {  	p0 =	sne.s32 s9, $0x200;
	v13 =	vadd.s32 $0xFFFFFFFE, v13;
	vm1 =	veq.s32 v12, v0;
	vm2 =	veq.s32 v7, v4  }
0x2e: {  	vm4 =	vgt.s32 v7, v4;
	vm5 =	vle.s32 v7, v3;
	vm3 =	vgt.s32 v13, $0x0  }
0x2f: {  	vm6 =	veq.s32 v7, v3;
	v12 =	vnsel vm3, $0x0, v13;
	vm3 =	vgt.s32 v7, v5;
	v7 =	vmovc v8  }
0x30: {  	vm7 =	vgt.s32 v11, $0x0;
	v8 =	vmin.u32 v12, $0x1FF;
	v12 =	vsel vm6, $0x3, v2  }
0x31: {  	v11 =	vnsel vm7, $0x0, v11;
	v13 =	vor.u32 $0x200, v8;
	v8 =	vsel vm3, v12, v9  }
0x32: {  	v14 =	vmin.u32 v11, $0x1FF;
	v9 =	vsel vm1, $0x2, v10;
	v8 =	vsel vm2, $0x3, v8  }
.Ltmp0:
0x33: {  	s6 =	sadd.s32 $0x10, s6;
	v8 =	vsel vm0, v8, v9;
	vm0 =	vmand vm4, vm5;
	(pc) =	sbr.rel @p0 .LBB2_1-.Ltmp0, $4  }
0x34: {  	s7 =	sadd.s32 $0x10, s7;
	v9 =	vsel vm0, $0x1, v2;
	[tilespmem:s6+$0x0] =	vst v8  }
0x35: {  	[tilespmem:s7+$0x0] =	vst v9  }
0x36: {  	v12 =	vmov s8;
	s8 =	smov.u32 s9;
	v8 =	vor.u32 s9, v0;
	v9 =	vld.idx.msk [tilespmem:v13+s5+$0x0], $0xffff  }
0x37: {  	v11 =	vadd.s32 s8, v6;
	s9 =	sadd.s32 $0x10, s9;
	vm0 =	vgt.s32 v7, v1;
	v13 =	vsub.s32 v8, v1;
	v10 =	vld.idx.msk [tilespmem:v14+s5+$0x0], $0xffff  }
0x38: {  	v6 =	vadd.s32 $0xFFFFFFFE, v13;
	vm1 =	veq.s32 v12, v0;
	vm2 =	veq.s32 v7, v4  }
0x39: {  	vm4 =	vgt.s32 v7, v4;
	vm5 =	vle.s32 v7, v3;
	vm3 =	vgt.s32 v6, $0x0  }
0x3a: {  	vm15 =	vgt.s32 v7, v5;
	vm6 =	veq.s32 v7, v3;
	v6 =	vnsel vm3, $0x0, v6  }
0x3b: {  	vm7 =	vgt.s32 v11, $0x0;
	v7 =	vsel vm6, $0x3, v2;
	v6 =	vmin.u32 v6, $0x1FF  }
0x3c: {  	v11 =	vnsel vm7, $0x0, v11;
	v7 =	vsel vm15, v7, v9;
	v6 =	vor.u32 $0x200, v6  }
0x3d: {  	v58 =	vmin.u32 v11, $0x1FF;
	v10 =	vsel vm1, $0x2, v10;
	v7 =	vsel vm2, $0x3, v7  }
0x3e: {  	s6 =	sadd.s32 $0x10, s6;
	vm7 =	vmand vm4, vm5;
	v7 =	vsel vm0, v7, v10  }
0x3f: {  	s7 =	sadd.s32 $0x10, s7;
	v59 =	vsel vm7, $0x1, v2;
	[tilespmem:s6+$0x0] =	vst v7  }
0x40: {  	[tilespmem:s7+$0x0] =	vst v59  }
0x41: {  	v6 =	vld.idx.msk [tilespmem:v6+s5+$0x0], $0xffff  }
0x42: {  	v7 =	vld.idx.msk [tilespmem:v58+s5+$0x0], $0xffff;
	_ =	sdelay $0x1  }
0x43: {  	v60 =	vmov s8;
	vm8 =	vgt.s32 v8, v1;
	vm9 =	veq.s32 v8, v3  }
0x44: {  	s22 =	sshrl.u32 s1, $0x3;
	vm11 =	vgt.s32 v8, v5;
	vm12 =	veq.s32 v8, v4;
	v61 =	vsel vm9, $0x3, v2  }
0x45: {  	vm13 =	vgt.s32 v8, v4;
	vm10 =	veq.s32 v60, v0;
	s5 =	smul.u32 $0x1400, s22;
	v0 =	vsel vm11, v61, v6  }
0x46: {  	s4 =	sand.u32 $0x380, s4;
	vm14 =	vle.s32 v8, v3;
	v62 =	vsel vm10, $0x2, v7;
	v0 =	vsel vm12, $0x3, v0  }
0x47: {  	s23 =	sadd.s32 $0x10, s6;
	vm15 =	vmand vm13, vm14;
	s4 =	sor.u32 s4, s5;
	v0 =	vsel vm8, v0, v62  }
0x48: {  	s25 =	simm.s32 $0x80;
	s24 =	sadd.s32 $0x10, s7;
	v63 =	vsel vm15, $0x1, v2;
	s4 =	sshrl.u32 s4, $0x3;
	[tilespmem:s23+$0x0] =	vst v0  }
0x49: {  	s26 =	simm.s32 $0x400;
	s28 =	simm.s32 $0x480;
	s3 =	sadd.s32 s3, s4;
	[tilespmem:s24+$0x0] =	vst v63  }
0x4a: {  	[hbm4b:s3+s25] =	stream.strided.scatter [tilespmem:s28], [sflag:$0x1], $0x280, s26, s25, $0x38;
	[tilespmem:$0x980] =	vst v63  }
0x4b: {  	s29 =	simm.s32 $0x700;
	s30 =	simm.s32 $0x1;
	s2 =	sadd.s32 s2, s4  }
0x4c: {  	[hbm4b:s2+s25] =	stream.strided.scatter [tilespmem:s29], [sflag:$0x2], $0x280, s26, s25, $0x38;
	[tilespmem:$0x980] =	vst v63  }
0x4d: {  	_ =	swait.ge [sflag:s30], $0x280  }
0x4e: {  	[sflag:s30] =	ssyncset.done $0x0  }
0x4f: {  	s31 =	simm.s32 $0x2;
	[sflag:s30] =	ssyncadd.s32 $0xFFFFFD80  }
0x50: {  	_ =	swait.ge [sflag:s31], $0x280  }
0x51: {  	[sflag:s31] =	ssyncset.done $0x0  }
0x52: {  	[sflag:s31] =	ssyncadd.s32 $0xFFFFFD80  }
0x53: {  	_ =	sfence.sel $0x180000  }
0x54: {  	[bflag:$0x0] =	sbarrier.arrive $0xFFFF  }
0x55: {  	p0 =	sne.s32 s1, $0x0;
	_ =	strace $0x90000047  }
0x56: {  	s0 =	sadd.s32 @!p0 $0x100000, s0;
	[bflag:$0x2] =	sbarrier.arrive $0xFFFF  }
0x57: {  	[sflag:s0] =	ssyncadd.tile.s32 @!p0 $0x1;
	_ =	shalt  }
.Lfunc_end2:
_tile_overlayer_lowered:
.L_overlay_start_2:
0x58: {  	(tag) =	ssettag $0x2  }
0x59: {  	s0 =	rddreg [dreg:$0x0];
	s2 =	stileid.u32  }
0x5a: {  	s1 =	rddreg [dreg:$0x1];
	p0 =	sne.s32 s2, $0x0  }
0x5b: {  	s3 =	rddreg [dreg:$0x2];
	[bflag:$0x3] =	sbarrier.arrive $0xFFFF;
	s2 =	simm.s32 @!p0 $0x1C04  }
0x5c: {  	[timem:s3], [sflag:s2] =	dma.local @!p0 [hbm:s0], s1  }
0x5d: {  	s0 =	simm.s32 @!p0 $0x4  }
0x5e: {  	_ =	swait.ge @!p0 [sflag:s0], s1  }
0x5f: {  	s1 =	ssub.s32 @!p0 $0x0, s1;
	[sflag:s0] =	ssyncset.done @!p0 $0x0  }
0x60: {  	[sflag:s0] =	ssyncadd.s32 @!p0 s1  }
0x61: {  	[bflag:$0x3] =	sbarrier.arrive $0xFFFF  }
0x62: {  	_ =	shalt  }

</sc_bundles>
